<compile_context>
chip_gen: v7x
topology: tpu7x:2x2x1
jax: 0.10.2.dev20260603
libtpu: 0.0.44.dev20260713+nightly
codegen_flags: <defaults>
</compile_context>

<pallas_src>
import functools

import jax
import jax.numpy as jnp
from jax import lax
from jax.experimental import pallas as pl
from jax.experimental.pallas import tpu as pltpu
from jax.experimental.pallas import tpu_sc as plsc

VOCAB = 262144
EMBED = 1152

_info = plsc.get_sparse_core_info()
_NC, _NS = _info.num_cores, _info.num_subcores
_NW = _NC * _NS

_B = 4096
_BPW = _B // _NW
_CHUNK = 32
_NCHUNK = _BPW // _CHUNK


def _make_kernel():
    mesh = plsc.VectorSubcoreMesh(core_axis_name="c", subcore_axis_name="s")

    @functools.partial(
        pl.kernel,
        mesh=mesh,
        out_type=jax.ShapeDtypeStruct((_B, EMBED), jnp.float32),
        scratch_types=[
            pltpu.VMEM((_NCHUNK, _CHUNK), jnp.int32),
            pltpu.VMEM((2, _CHUNK, EMBED), jnp.float32),
            pltpu.SemaphoreType.DMA,
            pltpu.SemaphoreType.DMA,
            pltpu.SemaphoreType.DMA,
            pltpu.SemaphoreType.DMA,
        ],
    )
    def emb_kernel(ids_hbm, table_hbm, out_hbm, idx_v, rows_v,
                   gsem0, gsem1, osem0, osem1):
        wid = lax.axis_index("s") * _NC + lax.axis_index("c")
        base = wid * _BPW
        pltpu.sync_copy(ids_hbm.at[wid], idx_v)
        gsems = (gsem0, gsem1)
        osems = (osem0, osem1)
        g0 = pltpu.async_copy(table_hbm.at[idx_v.at[0]], rows_v.at[0], gsems[0])
        copies = [g0]
        out_copies = [None, None]
        for c in range(_NCHUNK):
            b = c % 2
            copies[c].wait()
            if c + 1 < _NCHUNK:
                if out_copies[(c + 1) % 2] is not None:
                    out_copies[(c + 1) % 2].wait()
                copies.append(
                    pltpu.async_copy(
                        table_hbm.at[idx_v.at[c + 1]],
                        rows_v.at[(c + 1) % 2],
                        gsems[(c + 1) % 2],
                    )
                )
            oc = pltpu.async_copy(
                rows_v.at[b],
                out_hbm.at[pl.ds(base + c * _CHUNK, _CHUNK)],
                osems[b],
            )
            out_copies[b] = oc
        for oc in out_copies:
            if oc is not None:
                oc.wait()

    return emb_kernel


_emb = _make_kernel()


@jax.jit
def kernel(token_ids, table):
    ids = token_ids.reshape(_NW, _NCHUNK, _CHUNK).astype(jnp.int32)
    out = _emb(ids, table)
    return out.reshape(token_ids.shape[0], token_ids.shape[1], EMBED)

# --- scband reference (transcript-rebuilt; emitter-appended) ---
"""Pipeline reference for scband-gemma3-embedder-fp32-46583215292865 (READ-ONLY COPY).

The authoritative reference and input builder live on the scoring server;
editing this copy changes nothing except your own understanding.
"""

import jax, jax.numpy as jnp
import numpy as np

VOCAB = 262144
EMBED = 1152


def setup_inputs(seed: int = 0) -> dict:
    key = jax.random.key(seed)
    k_ids, k_tab = jax.random.split(key)
    token_ids = jax.random.randint(k_ids, (2, 2048), 0, VOCAB, dtype=jnp.int64 if jax.config.read('jax_enable_x64') else jnp.int32).astype(jnp.int32)
    # learned embedding table, default nn.Embedding init ~ N(0, 1)
    table = jax.random.normal(k_tab, (VOCAB, EMBED), dtype=jnp.float32)
    return {"token_ids": token_ids, "table": table}


def reference(token_ids, table):
    # nn.Embedding forward: row gather from the table
    return jnp.take(table, token_ids, axis=0)

if __name__ == "__main__":
    import jax
    _d = setup_inputs()
    print(jax.jit(kernel)(*tuple(_d.values())))

</pallas_src>

<mosaic_0001>
#map = affine_map<(d0, d1) -> (0, 0, 0)>
#map1 = affine_map<(d0, d1) -> (0, 0)>
module attributes {stable_mosaic.version = 14 : i64} {
  func.func @emb_kernel(%arg0: i32, %arg1: i32, %arg2: memref<32x4x32xi32, #tpu.memory_space<hbm>>, %arg3: memref<262144x1152xf32, #tpu.memory_space<hbm>>, %arg4: memref<4096x1152xf32, #tpu.memory_space<hbm>>, %arg5: memref<4x32xi32, #tpu.memory_space<vmem>>, %arg6: memref<2x32x1152xf32, #tpu.memory_space<vmem>>, %arg7: memref<!tpu.dma_semaphore, #tpu.memory_space<semaphore_mem>>, %arg8: memref<!tpu.dma_semaphore, #tpu.memory_space<semaphore_mem>>, %arg9: memref<!tpu.dma_semaphore, #tpu.memory_space<semaphore_mem>>, %arg10: memref<!tpu.dma_semaphore, #tpu.memory_space<semaphore_mem>>) attributes {dimension_semantics = [#tpu.dimension_semantics<core_parallel>, #tpu.dimension_semantics<subcore_parallel>], iteration_bounds = array<i64: 2, 16>, scalar_prefetch = 0 : i64, scratch_operands = 6 : i64, tpu.core_type = #tpu.core_type<sc_vector_subcore>, window_params = [{transform_indices = #map}, {transform_indices = #map1}, {transform_indices = #map1}]} {
    %mul3A = arith.constant 2 : i32
    %mul3A_0 = arith.muli %arg1, %mul3A : i32
    %add3A = arith.addi %mul3A_0, %arg0 : i32
    %mul3A_1 = arith.constant 128 : i32
    %mul3A_2 = arith.muli %add3A, %mul3A_1 : i32
    "tpu.region"() ({
      %run_scoped3A = tpu.sem_alloc : memref<!tpu.dma_semaphore, #tpu.memory_space<semaphore_mem>>
      %dma_start3A_209 = arith.constant 0 : i32
      %dma_start3A_210 = arith.constant 0 : i32
      %dma_start3A_211 = tpu.memref_slice %arg2[%add3A, %dma_start3A_209, %dma_start3A_210] : memref<32x4x32xi32, #tpu.memory_space<hbm>> -> memref<1x4x32xi32, #tpu.memory_space<hbm>>
      %dma_start3A_212 = tpu.memref_squeeze %dma_start3A_211 : memref<1x4x32xi32, #tpu.memory_space<hbm>> -> memref<4x32xi32, #tpu.memory_space<hbm>>
      %dma_start3A_213 = arith.constant 0 : i32
      %dma_start3A_214 = arith.constant 0 : i32
      %dma_start3A_215 = tpu.memref_slice %arg2[%add3A, %dma_start3A_213, %dma_start3A_214] : memref<32x4x32xi32, #tpu.memory_space<hbm>> -> memref<1x4x32xi32, #tpu.memory_space<hbm>>
      %dma_start3A_216 = tpu.memref_squeeze %dma_start3A_215 : memref<1x4x32xi32, #tpu.memory_space<hbm>> -> memref<4x32xi32, #tpu.memory_space<hbm>>
      tpu.enqueue_dma source(%dma_start3A_216 : memref<4x32xi32, #tpu.memory_space<hbm>>) target(%arg5 : memref<4x32xi32, #tpu.memory_space<vmem>>) target_semaphore(%run_scoped3A : memref<!tpu.dma_semaphore, #tpu.memory_space<semaphore_mem>>)
      %dma_wait3A_217 = arith.constant 0 : i32
      %dma_wait3A_218 = arith.constant 0 : i32
      %dma_wait3A_219 = tpu.memref_slice %arg2[%add3A, %dma_wait3A_217, %dma_wait3A_218] : memref<32x4x32xi32, #tpu.memory_space<hbm>> -> memref<1x4x32xi32, #tpu.memory_space<hbm>>
      %dma_wait3A_220 = tpu.memref_squeeze %dma_wait3A_219 : memref<1x4x32xi32, #tpu.memory_space<hbm>> -> memref<4x32xi32, #tpu.memory_space<hbm>>
      %dma_wait3A_221 = arith.constant 0 : i32
      %dma_wait3A_222 = arith.constant 0 : i32
      %dma_wait3A_223 = tpu.memref_slice %arg2[%add3A, %dma_wait3A_221, %dma_wait3A_222] : memref<32x4x32xi32, #tpu.memory_space<hbm>> -> memref<1x4x32xi32, #tpu.memory_space<hbm>>
      %dma_wait3A_224 = tpu.memref_squeeze %dma_wait3A_223 : memref<1x4x32xi32, #tpu.memory_space<hbm>> -> memref<4x32xi32, #tpu.memory_space<hbm>>
      tpu.wait_dma2 semaphore(%run_scoped3A : memref<!tpu.dma_semaphore, #tpu.memory_space<semaphore_mem>>) src(%dma_wait3A_224 : memref<4x32xi32, #tpu.memory_space<hbm>>) dst(%arg5 : memref<4x32xi32, #tpu.memory_space<vmem>>)
      tpu.yield
    }) : () -> ()
    %dma_start3A = arith.constant 0 : i32
    %dma_start3A_3 = arith.constant 0 : i32
    %dma_start3A_4 = arith.constant 0 : i32
    %dma_start3A_5 = arith.constant 0 : i32
    %dma_start3A_6 = tpu.memref_slice %arg6[%dma_start3A_3, %dma_start3A_4, %dma_start3A_5] : memref<2x32x1152xf32, #tpu.memory_space<vmem>> -> memref<1x32x1152xf32, #tpu.memory_space<vmem>>
    %dma_start3A_7 = tpu.memref_squeeze %dma_start3A_6 : memref<1x32x1152xf32, #tpu.memory_space<vmem>> -> memref<32x1152xf32, #tpu.memory_space<vmem>>
    %dma_start3A_8 = arith.constant 0 : i32
    %dma_start3A_9 = tpu.memref_slice %arg5[%dma_start3A, %dma_start3A_8] : memref<4x32xi32, #tpu.memory_space<vmem>> -> memref<1x32xi32, #tpu.memory_space<vmem>>
    %dma_start3A_10 = tpu.memref_squeeze %dma_start3A_9 : memref<1x32xi32, #tpu.memory_space<vmem>> -> memref<32xi32, #tpu.memory_space<vmem>>
    %dma_start3A_11 = arith.constant 0 : i32
    %dma_start3A_12 = arith.constant 0 : i32
    %dma_start3A_13 = tpu.memref_slice %arg3[%dma_start3A_11, %dma_start3A_12] : memref<262144x1152xf32, #tpu.memory_space<hbm>> -> memref<262144x1152xf32, #tpu.memory_space<hbm>>
    tpu.enqueue_indirect_dma source(%dma_start3A_13 : memref<262144x1152xf32, #tpu.memory_space<hbm>>) target(%dma_start3A_7 : memref<32x1152xf32, #tpu.memory_space<vmem>>) offsets(%dma_start3A_10 : memref<32xi32, #tpu.memory_space<vmem>>) semaphore(%arg7 : memref<!tpu.dma_semaphore, #tpu.memory_space<semaphore_mem>>)
    %dma_wait3A = arith.constant 0 : i32
    %dma_wait3A_14 = arith.constant 0 : i32
    %dma_wait3A_15 = arith.constant 0 : i32
    %dma_wait3A_16 = arith.constant 0 : i32
    %dma_wait3A_17 = tpu.memref_slice %arg6[%dma_wait3A_14, %dma_wait3A_15, %dma_wait3A_16] : memref<2x32x1152xf32, #tpu.memory_space<vmem>> -> memref<1x32x1152xf32, #tpu.memory_space<vmem>>
    %dma_wait3A_18 = tpu.memref_squeeze %dma_wait3A_17 : memref<1x32x1152xf32, #tpu.memory_space<vmem>> -> memref<32x1152xf32, #tpu.memory_space<vmem>>
    %dma_wait3A_19 = arith.constant 0 : i32
    %dma_wait3A_20 = tpu.memref_slice %arg5[%dma_wait3A, %dma_wait3A_19] : memref<4x32xi32, #tpu.memory_space<vmem>> -> memref<1x32xi32, #tpu.memory_space<vmem>>
    %dma_wait3A_21 = tpu.memref_squeeze %dma_wait3A_20 : memref<1x32xi32, #tpu.memory_space<vmem>> -> memref<32xi32, #tpu.memory_space<vmem>>
    %dma_wait3A_22 = arith.constant 0 : i32
    %dma_wait3A_23 = arith.constant 0 : i32
    %dma_wait3A_24 = tpu.memref_slice %arg3[%dma_wait3A_22, %dma_wait3A_23] : memref<262144x1152xf32, #tpu.memory_space<hbm>> -> memref<262144x1152xf32, #tpu.memory_space<hbm>>
    tpu.wait_indirect_dma semaphore(%arg7 : memref<!tpu.dma_semaphore, #tpu.memory_space<semaphore_mem>>) src(%dma_wait3A_24 : memref<262144x1152xf32, #tpu.memory_space<hbm>>) dst(%dma_wait3A_18 : memref<32x1152xf32, #tpu.memory_space<vmem>>)
    %dma_start3A_25 = arith.constant 1 : i32
    %dma_start3A_26 = arith.constant 1 : i32
    %dma_start3A_27 = arith.constant 0 : i32
    %dma_start3A_28 = arith.constant 0 : i32
    %dma_start3A_29 = tpu.memref_slice %arg6[%dma_start3A_26, %dma_start3A_27, %dma_start3A_28] : memref<2x32x1152xf32, #tpu.memory_space<vmem>> -> memref<1x32x1152xf32, #tpu.memory_space<vmem>>
    %dma_start3A_30 = tpu.memref_squeeze %dma_start3A_29 : memref<1x32x1152xf32, #tpu.memory_space<vmem>> -> memref<32x1152xf32, #tpu.memory_space<vmem>>
    %dma_start3A_31 = arith.constant 0 : i32
    %dma_start3A_32 = tpu.memref_slice %arg5[%dma_start3A_25, %dma_start3A_31] : memref<4x32xi32, #tpu.memory_space<vmem>> -> memref<1x32xi32, #tpu.memory_space<vmem>>
    %dma_start3A_33 = tpu.memref_squeeze %dma_start3A_32 : memref<1x32xi32, #tpu.memory_space<vmem>> -> memref<32xi32, #tpu.memory_space<vmem>>
    %dma_start3A_34 = arith.constant 0 : i32
    %dma_start3A_35 = arith.constant 0 : i32
    %dma_start3A_36 = tpu.memref_slice %arg3[%dma_start3A_34, %dma_start3A_35] : memref<262144x1152xf32, #tpu.memory_space<hbm>> -> memref<262144x1152xf32, #tpu.memory_space<hbm>>
    tpu.enqueue_indirect_dma source(%dma_start3A_36 : memref<262144x1152xf32, #tpu.memory_space<hbm>>) target(%dma_start3A_30 : memref<32x1152xf32, #tpu.memory_space<vmem>>) offsets(%dma_start3A_33 : memref<32xi32, #tpu.memory_space<vmem>>) semaphore(%arg8 : memref<!tpu.dma_semaphore, #tpu.memory_space<semaphore_mem>>)
    %add3A_37 = arith.constant 0 : i32
    %add3A_38 = arith.addi %mul3A_2, %add3A_37 : i32
    %dma_start3A_39 = arith.constant 0 : i32
    %dma_start3A_40 = arith.constant 0 : i32
    %dma_start3A_41 = arith.constant 0 : i32
    %dma_start3A_42 = tpu.memref_slice %arg6[%dma_start3A_39, %dma_start3A_40, %dma_start3A_41] : memref<2x32x1152xf32, #tpu.memory_space<vmem>> -> memref<1x32x1152xf32, #tpu.memory_space<vmem>>
    %dma_start3A_43 = tpu.memref_squeeze %dma_start3A_42 : memref<1x32x1152xf32, #tpu.memory_space<vmem>> -> memref<32x1152xf32, #tpu.memory_space<vmem>>
    %dma_start3A_44 = arith.constant 0 : i32
    %dma_start3A_45 = tpu.memref_slice %arg4[%add3A_38, %dma_start3A_44] : memref<4096x1152xf32, #tpu.memory_space<hbm>> -> memref<32x1152xf32, #tpu.memory_space<hbm>>
    %dma_start3A_46 = arith.constant 0 : i32
    %dma_start3A_47 = tpu.memref_slice %arg4[%add3A_38, %dma_start3A_46] : memref<4096x1152xf32, #tpu.memory_space<hbm>> -> memref<32x1152xf32, #tpu.memory_space<hbm>>
    %dma_start3A_48 = arith.constant 0 : i32
    %dma_start3A_49 = arith.constant 0 : i32
    %dma_start3A_50 = tpu.memref_slice %arg6[%dma_start3A_39, %dma_start3A_48, %dma_start3A_49] : memref<2x32x1152xf32, #tpu.memory_space<vmem>> -> memref<1x32x1152xf32, #tpu.memory_space<vmem>>
    %dma_start3A_51 = tpu.memref_squeeze %dma_start3A_50 : memref<1x32x1152xf32, #tpu.memory_space<vmem>> -> memref<32x1152xf32, #tpu.memory_space<vmem>>
    tpu.enqueue_dma source(%dma_start3A_51 : memref<32x1152xf32, #tpu.memory_space<vmem>>) target(%dma_start3A_47 : memref<32x1152xf32, #tpu.memory_space<hbm>>) target_semaphore(%arg9 : memref<!tpu.dma_semaphore, #tpu.memory_space<semaphore_mem>>)
    %dma_wait3A_52 = arith.constant 1 : i32
    %dma_wait3A_53 = arith.constant 1 : i32
    %dma_wait3A_54 = arith.constant 0 : i32
    %dma_wait3A_55 = arith.constant 0 : i32
    %dma_wait3A_56 = tpu.memref_slice %arg6[%dma_wait3A_53, %dma_wait3A_54, %dma_wait3A_55] : memref<2x32x1152xf32, #tpu.memory_space<vmem>> -> memref<1x32x1152xf32, #tpu.memory_space<vmem>>
    %dma_wait3A_57 = tpu.memref_squeeze %dma_wait3A_56 : memref<1x32x1152xf32, #tpu.memory_space<vmem>> -> memref<32x1152xf32, #tpu.memory_space<vmem>>
    %dma_wait3A_58 = arith.constant 0 : i32
    %dma_wait3A_59 = tpu.memref_slice %arg5[%dma_wait3A_52, %dma_wait3A_58] : memref<4x32xi32, #tpu.memory_space<vmem>> -> memref<1x32xi32, #tpu.memory_space<vmem>>
    %dma_wait3A_60 = tpu.memref_squeeze %dma_wait3A_59 : memref<1x32xi32, #tpu.memory_space<vmem>> -> memref<32xi32, #tpu.memory_space<vmem>>
    %dma_wait3A_61 = arith.constant 0 : i32
    %dma_wait3A_62 = arith.constant 0 : i32
    %dma_wait3A_63 = tpu.memref_slice %arg3[%dma_wait3A_61, %dma_wait3A_62] : memref<262144x1152xf32, #tpu.memory_space<hbm>> -> memref<262144x1152xf32, #tpu.memory_space<hbm>>
    tpu.wait_indirect_dma semaphore(%arg8 : memref<!tpu.dma_semaphore, #tpu.memory_space<semaphore_mem>>) src(%dma_wait3A_63 : memref<262144x1152xf32, #tpu.memory_space<hbm>>) dst(%dma_wait3A_57 : memref<32x1152xf32, #tpu.memory_space<vmem>>)
    %dma_wait3A_64 = arith.constant 0 : i32
    %dma_wait3A_65 = arith.constant 0 : i32
    %dma_wait3A_66 = arith.constant 0 : i32
    %dma_wait3A_67 = tpu.memref_slice %arg6[%dma_wait3A_64, %dma_wait3A_65, %dma_wait3A_66] : memref<2x32x1152xf32, #tpu.memory_space<vmem>> -> memref<1x32x1152xf32, #tpu.memory_space<vmem>>
    %dma_wait3A_68 = tpu.memref_squeeze %dma_wait3A_67 : memref<1x32x1152xf32, #tpu.memory_space<vmem>> -> memref<32x1152xf32, #tpu.memory_space<vmem>>
    %dma_wait3A_69 = arith.constant 0 : i32
    %dma_wait3A_70 = tpu.memref_slice %arg4[%add3A_38, %dma_wait3A_69] : memref<4096x1152xf32, #tpu.memory_space<hbm>> -> memref<32x1152xf32, #tpu.memory_space<hbm>>
    %dma_wait3A_71 = arith.constant 0 : i32
    %dma_wait3A_72 = tpu.memref_slice %arg4[%add3A_38, %dma_wait3A_71] : memref<4096x1152xf32, #tpu.memory_space<hbm>> -> memref<32x1152xf32, #tpu.memory_space<hbm>>
    %dma_wait3A_73 = arith.constant 0 : i32
    %dma_wait3A_74 = arith.constant 0 : i32
    %dma_wait3A_75 = tpu.memref_slice %arg6[%dma_wait3A_64, %dma_wait3A_73, %dma_wait3A_74] : memref<2x32x1152xf32, #tpu.memory_space<vmem>> -> memref<1x32x1152xf32, #tpu.memory_space<vmem>>
    %dma_wait3A_76 = tpu.memref_squeeze %dma_wait3A_75 : memref<1x32x1152xf32, #tpu.memory_space<vmem>> -> memref<32x1152xf32, #tpu.memory_space<vmem>>
    tpu.wait_dma2 semaphore(%arg9 : memref<!tpu.dma_semaphore, #tpu.memory_space<semaphore_mem>>) src(%dma_wait3A_76 : memref<32x1152xf32, #tpu.memory_space<vmem>>) dst(%dma_wait3A_72 : memref<32x1152xf32, #tpu.memory_space<hbm>>)
    %dma_start3A_77 = arith.constant 2 : i32
    %dma_start3A_78 = arith.constant 0 : i32
    %dma_start3A_79 = arith.constant 0 : i32
    %dma_start3A_80 = arith.constant 0 : i32
    %dma_start3A_81 = tpu.memref_slice %arg6[%dma_start3A_78, %dma_start3A_79, %dma_start3A_80] : memref<2x32x1152xf32, #tpu.memory_space<vmem>> -> memref<1x32x1152xf32, #tpu.memory_space<vmem>>
    %dma_start3A_82 = tpu.memref_squeeze %dma_start3A_81 : memref<1x32x1152xf32, #tpu.memory_space<vmem>> -> memref<32x1152xf32, #tpu.memory_space<vmem>>
    %dma_start3A_83 = arith.constant 0 : i32
    %dma_start3A_84 = tpu.memref_slice %arg5[%dma_start3A_77, %dma_start3A_83] : memref<4x32xi32, #tpu.memory_space<vmem>> -> memref<1x32xi32, #tpu.memory_space<vmem>>
    %dma_start3A_85 = tpu.memref_squeeze %dma_start3A_84 : memref<1x32xi32, #tpu.memory_space<vmem>> -> memref<32xi32, #tpu.memory_space<vmem>>
    %dma_start3A_86 = arith.constant 0 : i32
    %dma_start3A_87 = arith.constant 0 : i32
    %dma_start3A_88 = tpu.memref_slice %arg3[%dma_start3A_86, %dma_start3A_87] : memref<262144x1152xf32, #tpu.memory_space<hbm>> -> memref<262144x1152xf32, #tpu.memory_space<hbm>>
    tpu.enqueue_indirect_dma source(%dma_start3A_88 : memref<262144x1152xf32, #tpu.memory_space<hbm>>) target(%dma_start3A_82 : memref<32x1152xf32, #tpu.memory_space<vmem>>) offsets(%dma_start3A_85 : memref<32xi32, #tpu.memory_space<vmem>>) semaphore(%arg7 : memref<!tpu.dma_semaphore, #tpu.memory_space<semaphore_mem>>)
    %add3A_89 = arith.constant 32 : i32
    %add3A_90 = arith.addi %mul3A_2, %add3A_89 : i32
    %dma_start3A_91 = arith.constant 1 : i32
    %dma_start3A_92 = arith.constant 0 : i32
    %dma_start3A_93 = arith.constant 0 : i32
    %dma_start3A_94 = tpu.memref_slice %arg6[%dma_start3A_91, %dma_start3A_92, %dma_start3A_93] : memref<2x32x1152xf32, #tpu.memory_space<vmem>> -> memref<1x32x1152xf32, #tpu.memory_space<vmem>>
    %dma_start3A_95 = tpu.memref_squeeze %dma_start3A_94 : memref<1x32x1152xf32, #tpu.memory_space<vmem>> -> memref<32x1152xf32, #tpu.memory_space<vmem>>
    %dma_start3A_96 = arith.constant 0 : i32
    %dma_start3A_97 = tpu.memref_slice %arg4[%add3A_90, %dma_start3A_96] : memref<4096x1152xf32, #tpu.memory_space<hbm>> -> memref<32x1152xf32, #tpu.memory_space<hbm>>
    %dma_start3A_98 = arith.constant 0 : i32
    %dma_start3A_99 = tpu.memref_slice %arg4[%add3A_90, %dma_start3A_98] : memref<4096x1152xf32, #tpu.memory_space<hbm>> -> memref<32x1152xf32, #tpu.memory_space<hbm>>
    %dma_start3A_100 = arith.constant 0 : i32
    %dma_start3A_101 = arith.constant 0 : i32
    %dma_start3A_102 = tpu.memref_slice %arg6[%dma_start3A_91, %dma_start3A_100, %dma_start3A_101] : memref<2x32x1152xf32, #tpu.memory_space<vmem>> -> memref<1x32x1152xf32, #tpu.memory_space<vmem>>
    %dma_start3A_103 = tpu.memref_squeeze %dma_start3A_102 : memref<1x32x1152xf32, #tpu.memory_space<vmem>> -> memref<32x1152xf32, #tpu.memory_space<vmem>>
    tpu.enqueue_dma source(%dma_start3A_103 : memref<32x1152xf32, #tpu.memory_space<vmem>>) target(%dma_start3A_99 : memref<32x1152xf32, #tpu.memory_space<hbm>>) target_semaphore(%arg10 : memref<!tpu.dma_semaphore, #tpu.memory_space<semaphore_mem>>)
    %dma_wait3A_104 = arith.constant 2 : i32
    %dma_wait3A_105 = arith.constant 0 : i32
    %dma_wait3A_106 = arith.constant 0 : i32
    %dma_wait3A_107 = arith.constant 0 : i32
    %dma_wait3A_108 = tpu.memref_slice %arg6[%dma_wait3A_105, %dma_wait3A_106, %dma_wait3A_107] : memref<2x32x1152xf32, #tpu.memory_space<vmem>> -> memref<1x32x1152xf32, #tpu.memory_space<vmem>>
    %dma_wait3A_109 = tpu.memref_squeeze %dma_wait3A_108 : memref<1x32x1152xf32, #tpu.memory_space<vmem>> -> memref<32x1152xf32, #tpu.memory_space<vmem>>
    %dma_wait3A_110 = arith.constant 0 : i32
    %dma_wait3A_111 = tpu.memref_slice %arg5[%dma_wait3A_104, %dma_wait3A_110] : memref<4x32xi32, #tpu.memory_space<vmem>> -> memref<1x32xi32, #tpu.memory_space<vmem>>
    %dma_wait3A_112 = tpu.memref_squeeze %dma_wait3A_111 : memref<1x32xi32, #tpu.memory_space<vmem>> -> memref<32xi32, #tpu.memory_space<vmem>>
    %dma_wait3A_113 = arith.constant 0 : i32
    %dma_wait3A_114 = arith.constant 0 : i32
    %dma_wait3A_115 = tpu.memref_slice %arg3[%dma_wait3A_113, %dma_wait3A_114] : memref<262144x1152xf32, #tpu.memory_space<hbm>> -> memref<262144x1152xf32, #tpu.memory_space<hbm>>
    tpu.wait_indirect_dma semaphore(%arg7 : memref<!tpu.dma_semaphore, #tpu.memory_space<semaphore_mem>>) src(%dma_wait3A_115 : memref<262144x1152xf32, #tpu.memory_space<hbm>>) dst(%dma_wait3A_109 : memref<32x1152xf32, #tpu.memory_space<vmem>>)
    %dma_wait3A_116 = arith.constant 1 : i32
    %dma_wait3A_117 = arith.constant 0 : i32
    %dma_wait3A_118 = arith.constant 0 : i32
    %dma_wait3A_119 = tpu.memref_slice %arg6[%dma_wait3A_116, %dma_wait3A_117, %dma_wait3A_118] : memref<2x32x1152xf32, #tpu.memory_space<vmem>> -> memref<1x32x1152xf32, #tpu.memory_space<vmem>>
    %dma_wait3A_120 = tpu.memref_squeeze %dma_wait3A_119 : memref<1x32x1152xf32, #tpu.memory_space<vmem>> -> memref<32x1152xf32, #tpu.memory_space<vmem>>
    %dma_wait3A_121 = arith.constant 0 : i32
    %dma_wait3A_122 = tpu.memref_slice %arg4[%add3A_90, %dma_wait3A_121] : memref<4096x1152xf32, #tpu.memory_space<hbm>> -> memref<32x1152xf32, #tpu.memory_space<hbm>>
    %dma_wait3A_123 = arith.constant 0 : i32
    %dma_wait3A_124 = tpu.memref_slice %arg4[%add3A_90, %dma_wait3A_123] : memref<4096x1152xf32, #tpu.memory_space<hbm>> -> memref<32x1152xf32, #tpu.memory_space<hbm>>
    %dma_wait3A_125 = arith.constant 0 : i32
    %dma_wait3A_126 = arith.constant 0 : i32
    %dma_wait3A_127 = tpu.memref_slice %arg6[%dma_wait3A_116, %dma_wait3A_125, %dma_wait3A_126] : memref<2x32x1152xf32, #tpu.memory_space<vmem>> -> memref<1x32x1152xf32, #tpu.memory_space<vmem>>
    %dma_wait3A_128 = tpu.memref_squeeze %dma_wait3A_127 : memref<1x32x1152xf32, #tpu.memory_space<vmem>> -> memref<32x1152xf32, #tpu.memory_space<vmem>>
    tpu.wait_dma2 semaphore(%arg10 : memref<!tpu.dma_semaphore, #tpu.memory_space<semaphore_mem>>) src(%dma_wait3A_128 : memref<32x1152xf32, #tpu.memory_space<vmem>>) dst(%dma_wait3A_124 : memref<32x1152xf32, #tpu.memory_space<hbm>>)
    %dma_start3A_129 = arith.constant 3 : i32
    %dma_start3A_130 = arith.constant 1 : i32
    %dma_start3A_131 = arith.constant 0 : i32
    %dma_start3A_132 = arith.constant 0 : i32
    %dma_start3A_133 = tpu.memref_slice %arg6[%dma_start3A_130, %dma_start3A_131, %dma_start3A_132] : memref<2x32x1152xf32, #tpu.memory_space<vmem>> -> memref<1x32x1152xf32, #tpu.memory_space<vmem>>
    %dma_start3A_134 = tpu.memref_squeeze %dma_start3A_133 : memref<1x32x1152xf32, #tpu.memory_space<vmem>> -> memref<32x1152xf32, #tpu.memory_space<vmem>>
    %dma_start3A_135 = arith.constant 0 : i32
    %dma_start3A_136 = tpu.memref_slice %arg5[%dma_start3A_129, %dma_start3A_135] : memref<4x32xi32, #tpu.memory_space<vmem>> -> memref<1x32xi32, #tpu.memory_space<vmem>>
    %dma_start3A_137 = tpu.memref_squeeze %dma_start3A_136 : memref<1x32xi32, #tpu.memory_space<vmem>> -> memref<32xi32, #tpu.memory_space<vmem>>
    %dma_start3A_138 = arith.constant 0 : i32
    %dma_start3A_139 = arith.constant 0 : i32
    %dma_start3A_140 = tpu.memref_slice %arg3[%dma_start3A_138, %dma_start3A_139] : memref<262144x1152xf32, #tpu.memory_space<hbm>> -> memref<262144x1152xf32, #tpu.memory_space<hbm>>
    tpu.enqueue_indirect_dma source(%dma_start3A_140 : memref<262144x1152xf32, #tpu.memory_space<hbm>>) target(%dma_start3A_134 : memref<32x1152xf32, #tpu.memory_space<vmem>>) offsets(%dma_start3A_137 : memref<32xi32, #tpu.memory_space<vmem>>) semaphore(%arg8 : memref<!tpu.dma_semaphore, #tpu.memory_space<semaphore_mem>>)
    %add3A_141 = arith.constant 64 : i32
    %add3A_142 = arith.addi %mul3A_2, %add3A_141 : i32
    %dma_start3A_143 = arith.constant 0 : i32
    %dma_start3A_144 = arith.constant 0 : i32
    %dma_start3A_145 = arith.constant 0 : i32
    %dma_start3A_146 = tpu.memref_slice %arg6[%dma_start3A_143, %dma_start3A_144, %dma_start3A_145] : memref<2x32x1152xf32, #tpu.memory_space<vmem>> -> memref<1x32x1152xf32, #tpu.memory_space<vmem>>
    %dma_start3A_147 = tpu.memref_squeeze %dma_start3A_146 : memref<1x32x1152xf32, #tpu.memory_space<vmem>> -> memref<32x1152xf32, #tpu.memory_space<vmem>>
    %dma_start3A_148 = arith.constant 0 : i32
    %dma_start3A_149 = tpu.memref_slice %arg4[%add3A_142, %dma_start3A_148] : memref<4096x1152xf32, #tpu.memory_space<hbm>> -> memref<32x1152xf32, #tpu.memory_space<hbm>>
    %dma_start3A_150 = arith.constant 0 : i32
    %dma_start3A_151 = tpu.memref_slice %arg4[%add3A_142, %dma_start3A_150] : memref<4096x1152xf32, #tpu.memory_space<hbm>> -> memref<32x1152xf32, #tpu.memory_space<hbm>>
    %dma_start3A_152 = arith.constant 0 : i32
    %dma_start3A_153 = arith.constant 0 : i32
    %dma_start3A_154 = tpu.memref_slice %arg6[%dma_start3A_143, %dma_start3A_152, %dma_start3A_153] : memref<2x32x1152xf32, #tpu.memory_space<vmem>> -> memref<1x32x1152xf32, #tpu.memory_space<vmem>>
    %dma_start3A_155 = tpu.memref_squeeze %dma_start3A_154 : memref<1x32x1152xf32, #tpu.memory_space<vmem>> -> memref<32x1152xf32, #tpu.memory_space<vmem>>
    tpu.enqueue_dma source(%dma_start3A_155 : memref<32x1152xf32, #tpu.memory_space<vmem>>) target(%dma_start3A_151 : memref<32x1152xf32, #tpu.memory_space<hbm>>) target_semaphore(%arg9 : memref<!tpu.dma_semaphore, #tpu.memory_space<semaphore_mem>>)
    %dma_wait3A_156 = arith.constant 3 : i32
    %dma_wait3A_157 = arith.constant 1 : i32
    %dma_wait3A_158 = arith.constant 0 : i32
    %dma_wait3A_159 = arith.constant 0 : i32
    %dma_wait3A_160 = tpu.memref_slice %arg6[%dma_wait3A_157, %dma_wait3A_158, %dma_wait3A_159] : memref<2x32x1152xf32, #tpu.memory_space<vmem>> -> memref<1x32x1152xf32, #tpu.memory_space<vmem>>
    %dma_wait3A_161 = tpu.memref_squeeze %dma_wait3A_160 : memref<1x32x1152xf32, #tpu.memory_space<vmem>> -> memref<32x1152xf32, #tpu.memory_space<vmem>>
    %dma_wait3A_162 = arith.constant 0 : i32
    %dma_wait3A_163 = tpu.memref_slice %arg5[%dma_wait3A_156, %dma_wait3A_162] : memref<4x32xi32, #tpu.memory_space<vmem>> -> memref<1x32xi32, #tpu.memory_space<vmem>>
    %dma_wait3A_164 = tpu.memref_squeeze %dma_wait3A_163 : memref<1x32xi32, #tpu.memory_space<vmem>> -> memref<32xi32, #tpu.memory_space<vmem>>
    %dma_wait3A_165 = arith.constant 0 : i32
    %dma_wait3A_166 = arith.constant 0 : i32
    %dma_wait3A_167 = tpu.memref_slice %arg3[%dma_wait3A_165, %dma_wait3A_166] : memref<262144x1152xf32, #tpu.memory_space<hbm>> -> memref<262144x1152xf32, #tpu.memory_space<hbm>>
    tpu.wait_indirect_dma semaphore(%arg8 : memref<!tpu.dma_semaphore, #tpu.memory_space<semaphore_mem>>) src(%dma_wait3A_167 : memref<262144x1152xf32, #tpu.memory_space<hbm>>) dst(%dma_wait3A_161 : memref<32x1152xf32, #tpu.memory_space<vmem>>)
    %add3A_168 = arith.constant 96 : i32
    %add3A_169 = arith.addi %mul3A_2, %add3A_168 : i32
    %dma_start3A_170 = arith.constant 1 : i32
    %dma_start3A_171 = arith.constant 0 : i32
    %dma_start3A_172 = arith.constant 0 : i32
    %dma_start3A_173 = tpu.memref_slice %arg6[%dma_start3A_170, %dma_start3A_171, %dma_start3A_172] : memref<2x32x1152xf32, #tpu.memory_space<vmem>> -> memref<1x32x1152xf32, #tpu.memory_space<vmem>>
    %dma_start3A_174 = tpu.memref_squeeze %dma_start3A_173 : memref<1x32x1152xf32, #tpu.memory_space<vmem>> -> memref<32x1152xf32, #tpu.memory_space<vmem>>
    %dma_start3A_175 = arith.constant 0 : i32
    %dma_start3A_176 = tpu.memref_slice %arg4[%add3A_169, %dma_start3A_175] : memref<4096x1152xf32, #tpu.memory_space<hbm>> -> memref<32x1152xf32, #tpu.memory_space<hbm>>
    %dma_start3A_177 = arith.constant 0 : i32
    %dma_start3A_178 = tpu.memref_slice %arg4[%add3A_169, %dma_start3A_177] : memref<4096x1152xf32, #tpu.memory_space<hbm>> -> memref<32x1152xf32, #tpu.memory_space<hbm>>
    %dma_start3A_179 = arith.constant 0 : i32
    %dma_start3A_180 = arith.constant 0 : i32
    %dma_start3A_181 = tpu.memref_slice %arg6[%dma_start3A_170, %dma_start3A_179, %dma_start3A_180] : memref<2x32x1152xf32, #tpu.memory_space<vmem>> -> memref<1x32x1152xf32, #tpu.memory_space<vmem>>
    %dma_start3A_182 = tpu.memref_squeeze %dma_start3A_181 : memref<1x32x1152xf32, #tpu.memory_space<vmem>> -> memref<32x1152xf32, #tpu.memory_space<vmem>>
    tpu.enqueue_dma source(%dma_start3A_182 : memref<32x1152xf32, #tpu.memory_space<vmem>>) target(%dma_start3A_178 : memref<32x1152xf32, #tpu.memory_space<hbm>>) target_semaphore(%arg10 : memref<!tpu.dma_semaphore, #tpu.memory_space<semaphore_mem>>)
    %dma_wait3A_183 = arith.constant 0 : i32
    %dma_wait3A_184 = arith.constant 0 : i32
    %dma_wait3A_185 = arith.constant 0 : i32
    %dma_wait3A_186 = tpu.memref_slice %arg6[%dma_wait3A_183, %dma_wait3A_184, %dma_wait3A_185] : memref<2x32x1152xf32, #tpu.memory_space<vmem>> -> memref<1x32x1152xf32, #tpu.memory_space<vmem>>
    %dma_wait3A_187 = tpu.memref_squeeze %dma_wait3A_186 : memref<1x32x1152xf32, #tpu.memory_space<vmem>> -> memref<32x1152xf32, #tpu.memory_space<vmem>>
    %dma_wait3A_188 = arith.constant 0 : i32
    %dma_wait3A_189 = tpu.memref_slice %arg4[%add3A_142, %dma_wait3A_188] : memref<4096x1152xf32, #tpu.memory_space<hbm>> -> memref<32x1152xf32, #tpu.memory_space<hbm>>
    %dma_wait3A_190 = arith.constant 0 : i32
    %dma_wait3A_191 = tpu.memref_slice %arg4[%add3A_142, %dma_wait3A_190] : memref<4096x1152xf32, #tpu.memory_space<hbm>> -> memref<32x1152xf32, #tpu.memory_space<hbm>>
    %dma_wait3A_192 = arith.constant 0 : i32
    %dma_wait3A_193 = arith.constant 0 : i32
    %dma_wait3A_194 = tpu.memref_slice %arg6[%dma_wait3A_183, %dma_wait3A_192, %dma_wait3A_193] : memref<2x32x1152xf32, #tpu.memory_space<vmem>> -> memref<1x32x1152xf32, #tpu.memory_space<vmem>>
    %dma_wait3A_195 = tpu.memref_squeeze %dma_wait3A_194 : memref<1x32x1152xf32, #tpu.memory_space<vmem>> -> memref<32x1152xf32, #tpu.memory_space<vmem>>
    tpu.wait_dma2 semaphore(%arg9 : memref<!tpu.dma_semaphore, #tpu.memory_space<semaphore_mem>>) src(%dma_wait3A_195 : memref<32x1152xf32, #tpu.memory_space<vmem>>) dst(%dma_wait3A_191 : memref<32x1152xf32, #tpu.memory_space<hbm>>)
    %dma_wait3A_196 = arith.constant 1 : i32
    %dma_wait3A_197 = arith.constant 0 : i32
    %dma_wait3A_198 = arith.constant 0 : i32
    %dma_wait3A_199 = tpu.memref_slice %arg6[%dma_wait3A_196, %dma_wait3A_197, %dma_wait3A_198] : memref<2x32x1152xf32, #tpu.memory_space<vmem>> -> memref<1x32x1152xf32, #tpu.memory_space<vmem>>
    %dma_wait3A_200 = tpu.memref_squeeze %dma_wait3A_199 : memref<1x32x1152xf32, #tpu.memory_space<vmem>> -> memref<32x1152xf32, #tpu.memory_space<vmem>>
    %dma_wait3A_201 = arith.constant 0 : i32
    %dma_wait3A_202 = tpu.memref_slice %arg4[%add3A_169, %dma_wait3A_201] : memref<4096x1152xf32, #tpu.memory_space<hbm>> -> memref<32x1152xf32, #tpu.memory_space<hbm>>
    %dma_wait3A_203 = arith.constant 0 : i32
    %dma_wait3A_204 = tpu.memref_slice %arg4[%add3A_169, %dma_wait3A_203] : memref<4096x1152xf32, #tpu.memory_space<hbm>> -> memref<32x1152xf32, #tpu.memory_space<hbm>>
    %dma_wait3A_205 = arith.constant 0 : i32
    %dma_wait3A_206 = arith.constant 0 : i32
    %dma_wait3A_207 = tpu.memref_slice %arg6[%dma_wait3A_196, %dma_wait3A_205, %dma_wait3A_206] : memref<2x32x1152xf32, #tpu.memory_space<vmem>> -> memref<1x32x1152xf32, #tpu.memory_space<vmem>>
    %dma_wait3A_208 = tpu.memref_squeeze %dma_wait3A_207 : memref<1x32x1152xf32, #tpu.memory_space<vmem>> -> memref<32x1152xf32, #tpu.memory_space<vmem>>
    tpu.wait_dma2 semaphore(%arg10 : memref<!tpu.dma_semaphore, #tpu.memory_space<semaphore_mem>>) src(%dma_wait3A_208 : memref<32x1152xf32, #tpu.memory_space<vmem>>) dst(%dma_wait3A_204 : memref<32x1152xf32, #tpu.memory_space<hbm>>)
    return
  }
}

</mosaic_0001>

<sc_bundles>
// kernel: kernel.3.cloned.1.call-start
scs
__scs_entry_jumppad:
0x0: {  	(pc) =	sbr.rel $0x88, $3  }
0x1: {  	(tag) =	ssettag $0x0;
	lr =	simm.s32 $0x1  }
0x2: {  	[smem:$0x3F9F] =	sst lr;
	_ =	strace $0xD0000000  }
0x3: {  	_ = 	snop  }
0x4: {  	_ = 	snop  }
0x5: {  	_ = 	snop  }
0x6: {  	_ = 	snop  }
0x7: {  	_ = 	snop  }
__scs_overlays_trampoline_lowered:
0x8: {  	[smem:$0x3FAE] =	sst s0  }
0x9: {  	[smem:$0x3FAF] =	sst s1  }
0xa: {  	[smem:$0x3FB0] =	sst s2  }
0xb: {  	[smem:$0x3FB1] =	sst s3  }
0xc: {  	[smem:$0x3FB2] =	sst s4  }
0xd: {  	[smem:$0x3FB3] =	sst s5  }
0xe: {  	[smem:$0x3FB4] =	sst s6  }
0xf: {  	[smem:$0x3FB5] =	sst s7  }
0x10: {  	[smem:$0x3FB6] =	sst s8  }
0x11: {  	[smem:$0x3FB7] =	sst s9;
	s0 =	simm.s32 @!p0 $0x0  }
0x12: {  	s1 =	sld [smem:$0x3F9D];
	s0 =	simm.s32 @p0 $0x1  }
0x13: {  	[smem:$0x3FB8] =	sst s0;
	s0 =	simm.s32 @!p1 $0x0  }
0x14: {  	s2 =	sld [smem:$0x3F9C];
	s0 =	simm.s32 @p1 $0x1  }
0x15: {  	[smem:$0x3FB9] =	sst s0;
	s0 =	simm.s32 @!p2 $0x0  }
0x16: {  	s3 =	sld [smem:$0x3FDB];
	s0 =	simm.s32 @p2 $0x1  }
0x17: {  	s4 =	simm.s32 $0x1BF5;
	[smem:$0x3FBB] =	sst s0  }
0x18: {  	s0 =	sld [smem:$0x3F9E];
	_ =	swait.ge [sflag:s4], $0x0  }
0x19: {  	s7 =	sld [smem:$0x3F9F]  }
0x1a: {  	s8 =	sadd.s32 $0xFFFFE003, lr  }
0x1b: {  	s9 =	sadd.s32 $0xFFFFFEF7, lr;
	s5 =	simm.s32 $0xFFFFFFFF;
	p2 =	slt.u32 s8, $0xFFFFF086  }
0x1c: {  	p1 =	slt.u32 s9, $0xF7A;
	s5 =	simm.s32 @!p2 $0x0  }
0x1d: {  	s5 =	simm.s32 @p1 $0x1;
	p0 =	seq.s32 s7, s2  }
0x1e: {  	s7 =	smul.u32 @!p0 $0xF7A, s2;
	p2 =	seq.s32 @!p0 s5, $0x0  }
0x1f: {  	s9 =	smul.u32 $0xF7A, s1;
	s8 =	simm.s32 @!p0 $0x1BF5;
	p2 =	por !p2, p0  }
0x20: {  	[sflag:s8] =	ssyncset.s32 @!p0 $0xFFFFF086;
	s6 =	sadd.s32 @!p0 s3, s7;
	s7 =	simm.s32 @!p0 $0x108  }
0x21: {  	s3 =	sadd.s32 s3, s9;
	s6 =	sadd.s32 @!p0 $0x88, s6;
	s7 =	simm.s32 @p2 $0x1082  }
0x22: {  	[simem:s7], [sflag:s8] =	dma.local @!p0 [hbm:s6], $0xF7A  }
0x23: {  	s9 =	sor.u32 $0xD0000000, s2;
	s6 =	simm.s32 $0x108;
	_ =	swait.ge @!p0 [sflag:s8], $0x0  }
0x24: {  	s3 =	sadd.s32 $0x88, s3;
	s6 =	simm.s32 @!p1 $0x1082;
	[sflag:s4] =	ssyncset.s32 $0xFFFFF086  }
0x25: {  	[simem:s6], [sflag:s4] =	dma.local [hbm:s3], $0xF7A  }
0x26: {  	[smem:$0x3F9F] =	sst s1;
	(tag) =	ssettag s2;
	_ =	strace s9  }
0x27: {  	s1 =	sld [smem:$0x3FAF]  }
0x28: {  	s2 =	sld [smem:$0x3FB0]  }
0x29: {  	s4 =	sld [smem:$0x3FB2]  }
0x2a: {  	p0 =	seq.s32 s5, $0x0;
	s5 =	sld [smem:$0x3FB3]  }
0x2b: {  	s6 =	sld [smem:$0x3FB4]  }
0x2c: {  	s7 =	sld [smem:$0x3FB5]  }
0x2d: {  	s3 =	simm.s32 $0x108;
	s8 =	sld [smem:$0x3FB6]  }
0x2e: {  	s3 =	simm.s32 @!p0 $0x1082;
	s9 =	sld [smem:$0x3FB7]  }
0x2f: {  	lr =	sadd.s32 s0, s3;
	s0 =	sld [smem:$0x3FAE]  }
0x30: {  	s3 =	sld [smem:$0x3FB1]  }
0x31: {  	[smem:$0x3FBA] =	sst s10  }
0x32: {  	s10 =	sld [smem:$0x3FB8];
	_ =	sdelay $0x3  }
0x33: {  	p0 =	seq.s32 s10, $0x1;
	s10 =	sld [smem:$0x3FBA];
	_ =	sdelay $0x3  }
0x34: {  	[smem:$0x3FBA] =	sst s10  }
0x35: {  	s10 =	sld [smem:$0x3FB9];
	_ =	sdelay $0x3  }
0x36: {  	p1 =	seq.s32 s10, $0x1;
	s10 =	sld [smem:$0x3FBA];
	_ =	sdelay $0x3  }
0x37: {  	[smem:$0x3FBA] =	sst s10  }
0x38: {  	s10 =	sld [smem:$0x3FBB]  }
0x39: {  	_ = 	snop;
	(pc) =	sbr.ind lr, $3  }
0x3a: {  	_ = 	snop  }
0x3b: {  	_ = 	snop  }
0x3c: {  	p2 =	seq.s32 s10, $0x1;
	s10 =	sld [smem:$0x3FBA]  }
0x3d: {  	_ =	shalt  }
0x3e: {  	_ =	shalt  }
0x3f: {  	_ =	shalt  }
0x40: {  	_ =	shalt  }
0x41: {  	_ =	shalt  }
0x42: {  	_ =	shalt  }
0x43: {  	_ =	shalt  }
0x44: {  	_ =	shalt  }
0x45: {  	_ =	shalt  }
0x46: {  	_ =	shalt  }
0x47: {  	_ =	shalt  }
0x48: {  	_ =	shalt  }
0x49: {  	_ =	shalt  }
0x4a: {  	_ =	shalt  }
0x4b: {  	_ =	shalt  }
0x4c: {  	_ =	shalt  }
0x4d: {  	_ =	shalt  }
0x4e: {  	_ =	shalt  }
0x4f: {  	_ =	shalt  }
0x50: {  	_ =	shalt  }
0x51: {  	_ =	shalt  }
0x52: {  	_ =	shalt  }
0x53: {  	_ =	shalt  }
0x54: {  	_ =	shalt  }
0x55: {  	_ =	shalt  }
0x56: {  	_ =	shalt  }
0x57: {  	_ =	shalt  }
0x58: {  	_ =	shalt  }
0x59: {  	_ =	shalt  }
0x5a: {  	_ =	shalt  }
0x5b: {  	_ =	shalt  }
0x5c: {  	_ =	shalt  }
0x5d: {  	_ =	shalt  }
0x5e: {  	_ =	shalt  }
0x5f: {  	_ =	shalt  }
0x60: {  	_ =	shalt  }
0x61: {  	_ =	shalt  }
0x62: {  	_ =	shalt  }
0x63: {  	_ =	shalt  }
0x64: {  	_ =	shalt  }
0x65: {  	_ =	shalt  }
0x66: {  	_ =	shalt  }
0x67: {  	_ =	shalt  }
0x68: {  	_ =	shalt  }
0x69: {  	_ =	shalt  }
0x6a: {  	_ =	shalt  }
0x6b: {  	_ =	shalt  }
0x6c: {  	_ =	shalt  }
0x6d: {  	_ =	shalt  }
0x6e: {  	_ =	shalt  }
0x6f: {  	_ =	shalt  }
0x70: {  	_ =	shalt  }
0x71: {  	_ =	shalt  }
0x72: {  	_ =	shalt  }
0x73: {  	_ =	shalt  }
0x74: {  	_ =	shalt  }
0x75: {  	_ =	shalt  }
0x76: {  	_ =	shalt  }
0x77: {  	_ =	shalt  }
0x78: {  	_ =	shalt  }
0x79: {  	_ =	shalt  }
0x7a: {  	_ =	shalt  }
0x7b: {  	_ =	shalt  }
0x7c: {  	_ =	shalt  }
0x7d: {  	_ =	shalt  }
0x7e: {  	_ =	shalt  }
0x7f: {  	_ =	shalt  }
0x80: {  	_ =	shalt  }
0x81: {  	_ =	shalt  }
0x82: {  	_ =	shalt  }
0x83: {  	_ =	shalt  }
0x84: {  	_ =	shalt  }
0x85: {  	_ =	shalt  }
0x86: {  	_ =	shalt  }
0x87: {  	_ =	shalt  }
.Lfunc_end0:
.L_simem_size_0:
called_computation_lowered:
.L_overlay_start_0:
0x88: {  	s2 =	sld [smem:$0x3FD9]  }
0x89: {  	s3 =	sld [smem:$0x3FFE];
	_ =	sdelay $0x1  }
0x8a: {  	s1 =	srdreg.scid  }
0x8b: {  	s0 =	sand.u32 $0x1, s1  }
0x8c: {  	s17 =	sshll.u32 s0, $0xA;
	s2 =	sadd.s32 s3, s2  }
0x8d: {  	s2 =	sadd.s32 s2, s17  }
0x8e: {  	[smem:$0x3FC6] =	sst s2  }
0x8f: {  	_ = 	snop  }
0x90: {  	s2 =	sld [smem:$0x3FC8]  }
0x91: {  	s18 =	sld [smem:$0x3FD0];
	(tm) =	ssettm $0x1  }
0x92: {  	s4 =	sld [smem:$0x3FFB];
	_ =	sdelay $0x3  }
0x93: {  	_ =	strace s4  }
0x94: {  	s4 =	sld [smem:$0x3FFC];
	_ =	sdelay $0x3  }
0x95: {  	_ =	strace s4  }
0x96: {  	s4 =	sld [smem:$0x3FFD];
	_ =	sdelay $0x3  }
0x97: {  	_ =	strace s4  }
0x98: {  	_ =	strace $0x8FFFFFFF  }
0x99: {  	s19 =	sld [smem:$0x3FDB];
	_ =	sdelay $0x1  }
0x9a: {  	s5 =	simm.s32 $_scs_section_size  }
0x9b: {  	s6 =	simm.s32 $_size__tile_overlayer_lowered;
	s7 =	simm.s32 $_tile_overlayer_lowered  }
0x9c: {  	s22 =	simm.s32 $0x1BFF;
	s21 =	sshll.u32 s7, $0x1;
	s4 =	sadd.s32 s5, s19  }
0x9d: {  	s8 =	simm.s32 $0x0;
	s20 =	sshll.u32 s6, $0x1;
	s6 =	sadd.s32 s21, s4  }
0x9e: {  	[timem:s8], [sflag:s22] =	dma.local [hbm:s6], s20  }
0x9f: {  	_ =	swait.ge [sflag:s22], s20  }
0xa0: {  	s5 =	ssub.s32 $0x0, s20;
	[sflag:s22] =	ssyncset.done $0x0  }
0xa1: {  	[sflag:s22] =	ssyncadd.s32 s5;
	_ =	sdelay $0x1  }
0xa2: {  	s23 =	simm.s32 $0x1B8B  }
0xa3: {  	_ =	swait.ge [sflag:s23], $0x1  }
0xa4: {  	[sflag:s23] =	ssyncset.done $0x0  }
0xa5: {  	s25 =	simm.s32 $0x1B8E;
	s24 =	sld [smem:$0x3FFE];
	[sflag:s23] =	ssyncadd.s32 $0xFFFFFFFF  }
0xa6: {  	s26 =	simm.s32 $execute0_lowered;
	[smem:$0x3FD2] =	sst s25  }
0xa7: {  	s6 =	sshll.u32 s26, $0x1;
	_ =	strace $0x80000046;
	[dreg:$0x1] =	wrdreg $0xFFFFFFFF  }
0xa8: {  	s28 =	simm.s32 $_size_execute0_lowered;
	s4 =	sadd.s32 s4, s6;
	[dreg:$0x0] =	wrdreg $0x0  }
0xa9: {  	s6 =	sshll.u32 s28, $0x1;
	[dreg:$0x2] =	wrdreg s4  }
0xaa: {  	[dreg:$0x3] =	wrdreg s6  }
0xab: {  	[dreg:$0x4] =	wrdreg $0xC0  }
0xac: {  	_ =	task [dreg:s8], $0x5FFFF  }
0xad: {  	[dreg:$0x1] =	wrdreg $0xFFFFFFFF  }
0xae: {  	[dreg:$0x0] =	wrdreg $0x60  }
0xaf: {  	[dreg:$0x2] =	wrdreg s24  }
0xb0: {  	[dreg:$0x3] =	wrdreg s2  }
0xb1: {  	[dreg:$0x4] =	wrdreg s18  }
0xb2: {  	[dreg:$0x5] =	wrdreg $0x9  }
0xb3: {  	_ =	task.clear_ibuf [dreg:s8], $0x6FFFF;
	_ =	strace $0x90000046  }
0xb4: {  	s29 =	simm.s32 $0x9;
	_ =	strace $0x80000048  }
0xb5: {  	_ =	swait.ge [sflag:s29], $0x1  }
0xb6: {  	[sflag:s29] =	ssyncadd.s32 $0xFFFFFFFF  }
0xb7: {  	_ =	strace $0x90000048  }
0xb8: {  	_ =	sfence  }
0xb9: {  	s30 =	sld [smem:$0x0];
	_ =	sdelay $0x2  }
0xba: {  	s31 =	sshll.u32 s1, $0xD;
	s1 =	sshrl.u32 s1, $0x2  }
0xbb: {  	s3 =	sand.u32 $0x4000, s31;
	s1 =	sadd.s32 s1, s30  }
0xbc: {  	s0 =	sor.u32 s3, s0;
	s1 =	sshll.u32 s1, $0x11  }
0xbd: {  	s0 =	sor.u32 s1, s0  }
0xbe: {  	s0 =	sadd.s32 $0x8F2B, s0  }
0xbf: {  	[sflag:s0] =	ssyncadd.remote.s32 $0x1  }
0xc0: {  	_ =	sfence.sel $0xFFFF  }
0xc1: {  	[dreg:$0x0] =	wrdreg $0xFFFFFFFF;
	(pc) =	sbr.abs _section_cstart, $3  }
0xc2: {  	[dreg:$0x1] =	wrdreg $0xFFFFFFFF  }
0xc3: {  	_ =	task.clear_ibuf [dreg:s8], $0x2FFFF;
	_ =	strace $0x9FFFFFFF  }
0xc4: {  	(tm) =	ssettm $0x7FFFFFFF  }
0xc5: {  	_ =	shalt  }
tec
execute0_lowered:
.L_overlay_start_1:
0x0: {  	(tag) =	ssettag $0x1  }
0x1: {  	s0 =	rddreg [dreg:$0x0]  }
0x2: {  	s1 =	rddreg [dreg:$0x1]  }
0x3: {  	s2 =	rddreg [dreg:$0x2];
	s3 =	simm.s32 $0x0  }
0x4: {  	s4 =	srdreg.scid;
	s5 =	stileid.u32;
	s10 =	simm.s32 $0x2  }
0x5: {  	s11 =	simm.s32 $0x4;
	s13 =	simm.s32 $0xA00;
	s14 =	simm.s32 $0x1200  }
0x6: {  	s15 =	simm.s32 $0x1A00;
	s16 =	simm.s32 $0x2200;
	s17 =	simm.s32 $0x2600  }
0x7: {  	s18 =	simm.s32 $0x2E00;
	s19 =	simm.s32 $0x3600;
	s20 =	simm.s32 $0x3E00  }
0x8: {  	s21 =	simm.s32 $0x4600;
	s28 =	simm.s32 $0x6E00;
	s29 =	simm.s32 $0x7600  }
0x9: {  	[smem:$0x7FF] =	sst s3;
	s4 =	sand.u32 $0x1, s4;
	s5 =	sshll.u32 s5, $0x1  }
0xa: {  	s30 =	simm.s32 $0x9200;
	_ =	strace $0x80000047;
	s5 =	sor.u32 s4, s5  }
0xb: {  	s4 =	ssub.s32 $0x2, s4;
	s6 =	sshll.u32 s5, $0x6;
	s7 =	smul.u32 $0x24000, s5  }
0xc: {  	s22 =	sshrl.u32 s4, $0x1;
	s5 =	smul.u32 $0x4800, s5;
	s0 =	sadd.s32 s6, s0  }
0xd: {  	s8 =	ssub.s32 s4, s22;
	s4 =	sadd.s32 $0x100, s1;
	s6 =	sadd.s32 $0x300, s1  }
0xe: {  	s22 =	simm.s32 $0x4A00;
	s0 =	sadd.s32 $0x400, s0;
	s23 =	sshrl.u32 s7, $0x3  }
0xf: {  	s24 =	sadd.s32 s2, s5;
	s5 =	sadd.s32 $0x200, s1;
	s7 =	sadd.s32 $0x400, s1  }
0x10: {  	s8 =	smax.u32 s8, $0x1;
	[dreg:$0x4] =	wrdreg s0;
	s2 =	sadd.s32 s2, s23  }
0x11: {  	[dreg:$0x5] =	wrdreg s24;
	s23 =	simm.s32 $0x5200;
	s25 =	sadd.s32 $0x1200, s2  }
0x12: {  	v2 =	vlaneseq.u32;
	s24 =	simm.s32 $0x5A00;
	s26 =	sadd.s32 $0x2400, s2;
	[dreg:$0x6] =	wrdreg s25  }
0x13: {  	vm0 =	vmmov $0xffff;
	vm1 =	vmmov $0xff;
	v1 =	vshrl.u32 v2, $0x3;
	s31 =	sadd.s32 $0x3600, s2;
	s2 =	simm.s32 $0x3;
	[dreg:$0x7] =	wrdreg s26  }
0x14: {  	v0 =	vand.u32 $0x7, v2;
	v2 =	vor.u32 $0x8, v2;
	v1 =	vmul.u32 $0x8, v1;
	[dreg:$0x8] =	wrdreg s31;
	s25 =	simm.s32 $0x6200;
	s26 =	simm.s32 $0x6A00  }
.LBB2_1:
0x15: {  	s12 =	rddreg [dreg:$0x4];
	s9 =	simm.s32 $0x5  }
0x16: {  	[tilespmem:s3], [sflag:$0x5] =	stream.linear.gather [hbm4b:s12+s3], $0x200, $0x38;
	[tilespmem:$0x12200] =	vst v63  }
0x17: {  	_ =	swait.ge [sflag:s9], $0x200  }
0x18: {  	[sflag:s9] =	ssyncset.done $0x0  }
0x19: {  	[sflag:s9] =	ssyncadd.s32 $0xFFFFFE00  }
0x1a: {  	v3 =	vld [tilespmem:$0x0];
	_ =	sdelay $0x4  }
0x1b: {  	v4 =	vshrl.u32 v3, $0x3  }
0x1c: {  	v4 =	vmul.u32 $0x48, v4  }
0x1d: {  	v3 =	vand.u32 $0x7, v3  }
0x1e: {  	v3 =	vor.u32 v3, v4  }
0x1f: {  	v4 =	vperm.xlane v3, v0;
	_ =	sdelay $0x1  }
0x20: {  	v4 =	vadd.s32 v1, v4;
	_ =	sdelay $0x3  }
0x21: {  	s0 =	simm.s32 $0x200  }
0x22: {  	[tilespmem:s0], [sflag:$0x1] =	stream.indirect_vreg.gather [hbm4b:s1+s3], $0x80, v4, vm0, $0xb8;
	[tilespmem:$0x12200] =	vst v63  }
0x23: {  	_ = 	snop  }
0x24: {  	[tilespmem:s13], [sflag:$0x1] =	stream.indirect_vreg.gather [hbm4b:s4+s3], $0x80, v4, vm0, $0xb8;
	[tilespmem:$0x12200] =	vst v63  }
0x25: {  	v3 =	vperm.xlane v3, v2  }
0x26: {  	[tilespmem:s14], [sflag:$0x1] =	stream.indirect_vreg.gather [hbm4b:s5+s3], $0x80, v4, vm0, $0xb8;
	[tilespmem:$0x12200] =	vst v63  }
0x27: {  	v3 =	vadd.s32 v1, v3  }
0x28: {  	[tilespmem:s15], [sflag:$0x1] =	stream.indirect_vreg.gather [hbm4b:s6+s3], $0x80, v4, vm0, $0xb8;
	[tilespmem:$0x12200] =	vst v63  }
0x29: {  	_ = 	snop  }
0x2a: {  	[tilespmem:s16], [sflag:$0x1] =	stream.indirect_vreg.gather [hbm4b:s7+s3], $0x80, v4, vm1, $0xb8;
	[tilespmem:$0x12200] =	vst v63  }
0x2b: {  	_ = 	snop  }
0x2c: {  	[tilespmem:s17], [sflag:$0x1] =	stream.indirect_vreg.gather [hbm4b:s1+s3], $0x80, v3, vm0, $0xb8;
	[tilespmem:$0x12200] =	vst v63  }
0x2d: {  	_ = 	snop  }
0x2e: {  	[tilespmem:s18], [sflag:$0x1] =	stream.indirect_vreg.gather [hbm4b:s4+s3], $0x80, v3, vm0, $0xb8;
	[tilespmem:$0x12200] =	vst v63  }
0x2f: {  	_ = 	snop  }
0x30: {  	[tilespmem:s19], [sflag:$0x1] =	stream.indirect_vreg.gather [hbm4b:s5+s3], $0x80, v3, vm0, $0xb8;
	[tilespmem:$0x12200] =	vst v63  }
0x31: {  	_ = 	snop  }
0x32: {  	[tilespmem:s20], [sflag:$0x1] =	stream.indirect_vreg.gather [hbm4b:s6+s3], $0x80, v3, vm0, $0xb8;
	[tilespmem:$0x12200] =	vst v63  }
0x33: {  	_ = 	snop  }
0x34: {  	[tilespmem:s21], [sflag:$0x1] =	stream.indirect_vreg.gather [hbm4b:s7+s3], $0x80, v3, vm1, $0xb8;
	[tilespmem:$0x12200] =	vst v63  }
0x35: {  	v3 =	vld [tilespmem:$0x10];
	_ =	sdelay $0x4  }
0x36: {  	v57 =	vshrl.u32 v3, $0x3  }
0x37: {  	v4 =	vmul.u32 $0x48, v57  }
0x38: {  	v3 =	vand.u32 $0x7, v3  }
0x39: {  	v3 =	vor.u32 v3, v4  }
0x3a: {  	v4 =	vperm.xlane v3, v0;
	_ =	sdelay $0x1  }
0x3b: {  	v4 =	vadd.s32 v1, v4;
	_ =	sdelay $0x4  }
0x3c: {  	[tilespmem:s22], [sflag:$0x1] =	stream.indirect_vreg.gather [hbm4b:s1+s3], $0x80, v4, vm0, $0xb8;
	[tilespmem:$0x12200] =	vst v63  }
0x3d: {  	_ = 	snop  }
0x3e: {  	[tilespmem:s23], [sflag:$0x1] =	stream.indirect_vreg.gather [hbm4b:s4+s3], $0x80, v4, vm0, $0xb8;
	[tilespmem:$0x12200] =	vst v63  }
0x3f: {  	v3 =	vperm.xlane v3, v2  }
0x40: {  	[tilespmem:s24], [sflag:$0x1] =	stream.indirect_vreg.gather [hbm4b:s5+s3], $0x80, v4, vm0, $0xb8;
	[tilespmem:$0x12200] =	vst v63  }
0x41: {  	v3 =	vadd.s32 v1, v3  }
0x42: {  	[tilespmem:s25], [sflag:$0x1] =	stream.indirect_vreg.gather [hbm4b:s6+s3], $0x80, v4, vm0, $0xb8;
	[tilespmem:$0x12200] =	vst v63  }
0x43: {  	_ = 	snop  }
0x44: {  	[tilespmem:s26], [sflag:$0x1] =	stream.indirect_vreg.gather [hbm4b:s7+s3], $0x80, v4, vm1, $0xb8;
	[tilespmem:$0x12200] =	vst v63  }
0x45: {  	_ = 	snop  }
0x46: {  	[tilespmem:s28], [sflag:$0x1] =	stream.indirect_vreg.gather [hbm4b:s1+s3], $0x80, v3, vm0, $0xb8;
	[tilespmem:$0x12200] =	vst v63  }
0x47: {  	_ = 	snop  }
0x48: {  	[tilespmem:s29], [sflag:$0x1] =	stream.indirect_vreg.gather [hbm4b:s4+s3], $0x80, v3, vm0, $0xb8;
	[tilespmem:$0x12200] =	vst v63  }
0x49: {  	s9 =	simm.s32 $0x7E00  }
0x4a: {  	[tilespmem:s9], [sflag:$0x1] =	stream.indirect_vreg.gather [hbm4b:s5+s3], $0x80, v3, vm0, $0xb8;
	[tilespmem:$0x12200] =	vst v63  }
0x4b: {  	s31 =	simm.s32 $0x8600  }
0x4c: {  	[tilespmem:s31], [sflag:$0x1] =	stream.indirect_vreg.gather [hbm4b:s6+s3], $0x80, v3, vm0, $0xb8;
	[tilespmem:$0x12200] =	vst v63  }
0x4d: {  	s12 =	simm.s32 $0x8E00;
	s0 =	simm.s32 $0x1  }
0x4e: {  	[tilespmem:s12], [sflag:$0x1] =	stream.indirect_vreg.gather [hbm4b:s7+s3], $0x80, v3, vm1, $0xb8;
	[tilespmem:$0x12200] =	vst v63  }
0x4f: {  	_ =	swait.ge [sflag:s0], $0x9000  }
0x50: {  	[sflag:s0] =	ssyncset.done $0x0  }
0x51: {  	[sflag:s0] =	ssyncadd.s32 $0xFFFF7000  }
0x52: {  	v3 =	vld [tilespmem:$0x80];
	_ =	sdelay $0x4  }
0x53: {  	v58 =	vshrl.u32 v3, $0x3  }
0x54: {  	v4 =	vmul.u32 $0x48, v58  }
0x55: {  	v3 =	vand.u32 $0x7, v3  }
0x56: {  	v3 =	vor.u32 v3, v4  }
0x57: {  	v4 =	vperm.xlane v3, v0;
	_ =	sdelay $0x1  }
0x58: {  	v4 =	vadd.s32 v1, v4;
	_ =	sdelay $0x4  }
0x59: {  	[tilespmem:s30], [sflag:$0x2] =	stream.indirect_vreg.gather [hbm4b:s1+s3], $0x80, v4, vm0, $0xb8;
	[tilespmem:$0x12200] =	vst v63  }
0x5a: {  	s31 =	simm.s32 $0x9A00  }
0x5b: {  	[tilespmem:s31], [sflag:$0x2] =	stream.indirect_vreg.gather [hbm4b:s4+s3], $0x80, v4, vm0, $0xb8;
	[tilespmem:$0x12200] =	vst v63  }
0x5c: {  	v3 =	vperm.xlane v3, v2;
	s31 =	simm.s32 $0xA200  }
0x5d: {  	[tilespmem:s31], [sflag:$0x2] =	stream.indirect_vreg.gather [hbm4b:s5+s3], $0x80, v4, vm0, $0xb8;
	[tilespmem:$0x12200] =	vst v63  }
0x5e: {  	v3 =	vadd.s32 v1, v3;
	s31 =	simm.s32 $0xAA00  }
0x5f: {  	[tilespmem:s31], [sflag:$0x2] =	stream.indirect_vreg.gather [hbm4b:s6+s3], $0x80, v4, vm0, $0xb8;
	[tilespmem:$0x12200] =	vst v63  }
0x60: {  	s31 =	simm.s32 $0xB200  }
0x61: {  	[tilespmem:s31], [sflag:$0x2] =	stream.indirect_vreg.gather [hbm4b:s7+s3], $0x80, v4, vm1, $0xb8;
	[tilespmem:$0x12200] =	vst v63  }
0x62: {  	s31 =	simm.s32 $0xB600  }
0x63: {  	[tilespmem:s31], [sflag:$0x2] =	stream.indirect_vreg.gather [hbm4b:s1+s3], $0x80, v3, vm0, $0xb8;
	[tilespmem:$0x12200] =	vst v63  }
0x64: {  	s31 =	simm.s32 $0xBE00  }
0x65: {  	[tilespmem:s31], [sflag:$0x2] =	stream.indirect_vreg.gather [hbm4b:s4+s3], $0x80, v3, vm0, $0xb8;
	[tilespmem:$0x12200] =	vst v63  }
0x66: {  	s31 =	simm.s32 $0xC600  }
0x67: {  	[tilespmem:s31], [sflag:$0x2] =	stream.indirect_vreg.gather [hbm4b:s5+s3], $0x80, v3, vm0, $0xb8;
	[tilespmem:$0x12200] =	vst v63  }
0x68: {  	s31 =	simm.s32 $0xCE00  }
0x69: {  	[tilespmem:s31], [sflag:$0x2] =	stream.indirect_vreg.gather [hbm4b:s6+s3], $0x80, v3, vm0, $0xb8;
	[tilespmem:$0x12200] =	vst v63  }
0x6a: {  	s31 =	simm.s32 $0xD600  }
0x6b: {  	[tilespmem:s31], [sflag:$0x2] =	stream.indirect_vreg.gather [hbm4b:s7+s3], $0x80, v3, vm1, $0xb8;
	[tilespmem:$0x12200] =	vst v63  }
0x6c: {  	v3 =	vld [tilespmem:$0x90];
	_ =	sdelay $0x4  }
0x6d: {  	v59 =	vshrl.u32 v3, $0x3  }
0x6e: {  	v4 =	vmul.u32 $0x48, v59  }
0x6f: {  	v3 =	vand.u32 $0x7, v3  }
0x70: {  	v3 =	vor.u32 v3, v4  }
0x71: {  	v4 =	vperm.xlane v3, v0;
	_ =	sdelay $0x1  }
0x72: {  	v4 =	vadd.s32 v1, v4;
	_ =	sdelay $0x3  }
0x73: {  	s31 =	simm.s32 $0xDA00  }
0x74: {  	[tilespmem:s31], [sflag:$0x2] =	stream.indirect_vreg.gather [hbm4b:s1+s3], $0x80, v4, vm0, $0xb8;
	[tilespmem:$0x12200] =	vst v63  }
0x75: {  	s31 =	simm.s32 $0xE200  }
0x76: {  	[tilespmem:s31], [sflag:$0x2] =	stream.indirect_vreg.gather [hbm4b:s4+s3], $0x80, v4, vm0, $0xb8;
	[tilespmem:$0x12200] =	vst v63  }
0x77: {  	v3 =	vperm.xlane v3, v2;
	s31 =	simm.s32 $0xEA00  }
0x78: {  	[tilespmem:s31], [sflag:$0x2] =	stream.indirect_vreg.gather [hbm4b:s5+s3], $0x80, v4, vm0, $0xb8;
	[tilespmem:$0x12200] =	vst v63  }
0x79: {  	v3 =	vadd.s32 v1, v3;
	s31 =	simm.s32 $0xF200  }
0x7a: {  	[tilespmem:s31], [sflag:$0x2] =	stream.indirect_vreg.gather [hbm4b:s6+s3], $0x80, v4, vm0, $0xb8;
	[tilespmem:$0x12200] =	vst v63  }
0x7b: {  	s31 =	simm.s32 $0xFA00  }
0x7c: {  	[tilespmem:s31], [sflag:$0x2] =	stream.indirect_vreg.gather [hbm4b:s7+s3], $0x80, v4, vm1, $0xb8;
	[tilespmem:$0x12200] =	vst v63  }
0x7d: {  	s31 =	simm.s32 $0xFE00  }
0x7e: {  	[tilespmem:s31], [sflag:$0x2] =	stream.indirect_vreg.gather [hbm4b:s1+s3], $0x80, v3, vm0, $0xb8;
	[tilespmem:$0x12200] =	vst v63  }
0x7f: {  	s31 =	simm.s32 $0x10600  }
0x80: {  	[tilespmem:s31], [sflag:$0x2] =	stream.indirect_vreg.gather [hbm4b:s4+s3], $0x80, v3, vm0, $0xb8;
	[tilespmem:$0x12200] =	vst v63  }
0x81: {  	s31 =	simm.s32 $0x10E00  }
0x82: {  	[tilespmem:s31], [sflag:$0x2] =	stream.indirect_vreg.gather [hbm4b:s5+s3], $0x80, v3, vm0, $0xb8;
	[tilespmem:$0x12200] =	vst v63  }
0x83: {  	s31 =	simm.s32 $0x11600  }
0x84: {  	[tilespmem:s31], [sflag:$0x2] =	stream.indirect_vreg.gather [hbm4b:s6+s3], $0x80, v3, vm0, $0xb8;
	[tilespmem:$0x12200] =	vst v63  }
0x85: {  	s31 =	simm.s32 $0x11E00  }
0x86: {  	[tilespmem:s31], [sflag:$0x2] =	stream.indirect_vreg.gather [hbm4b:s7+s3], $0x80, v3, vm1, $0xb8;
	[tilespmem:$0x12200] =	vst v63  }
0x87: {  	s12 =	rddreg [dreg:$0x5];
	s31 =	simm.s32 $0x200  }
0x88: {  	[hbm4b:s12+s3] =	stream.linear.scatter [tilespmem:s31], [sflag:$0x3], $0x9000, $0x38;
	[tilespmem:$0x12200] =	vst v63  }
0x89: {  	_ =	swait.ge [sflag:s10], $0x9000  }
0x8a: {  	[sflag:s10] =	ssyncset.done $0x0  }
0x8b: {  	[sflag:s10] =	ssyncadd.s32 $0xFFFF7000  }
0x8c: {  	_ =	swait.ge [sflag:s2], $0x9000  }
0x8d: {  	[sflag:s2] =	ssyncset.done $0x0  }
0x8e: {  	[sflag:s2] =	ssyncadd.s32 $0xFFFF7000  }
0x8f: {  	v3 =	vld [tilespmem:$0x100];
	_ =	sdelay $0x4  }
0x90: {  	v60 =	vshrl.u32 v3, $0x3  }
0x91: {  	v4 =	vmul.u32 $0x48, v60  }
0x92: {  	v3 =	vand.u32 $0x7, v3  }
0x93: {  	v3 =	vor.u32 v3, v4  }
0x94: {  	v4 =	vperm.xlane v3, v0;
	_ =	sdelay $0x1  }
0x95: {  	v4 =	vadd.s32 v1, v4;
	_ =	sdelay $0x4  }
0x96: {  	[tilespmem:s31], [sflag:$0x1] =	stream.indirect_vreg.gather [hbm4b:s1+s3], $0x80, v4, vm0, $0xb8;
	[tilespmem:$0x12200] =	vst v63  }
0x97: {  	_ = 	snop  }
0x98: {  	[tilespmem:s13], [sflag:$0x1] =	stream.indirect_vreg.gather [hbm4b:s4+s3], $0x80, v4, vm0, $0xb8;
	[tilespmem:$0x12200] =	vst v63  }
0x99: {  	v3 =	vperm.xlane v3, v2  }
0x9a: {  	[tilespmem:s14], [sflag:$0x1] =	stream.indirect_vreg.gather [hbm4b:s5+s3], $0x80, v4, vm0, $0xb8;
	[tilespmem:$0x12200] =	vst v63  }
0x9b: {  	v3 =	vadd.s32 v1, v3  }
0x9c: {  	[tilespmem:s15], [sflag:$0x1] =	stream.indirect_vreg.gather [hbm4b:s6+s3], $0x80, v4, vm0, $0xb8;
	[tilespmem:$0x12200] =	vst v63  }
0x9d: {  	_ = 	snop  }
0x9e: {  	[tilespmem:s16], [sflag:$0x1] =	stream.indirect_vreg.gather [hbm4b:s7+s3], $0x80, v4, vm1, $0xb8;
	[tilespmem:$0x12200] =	vst v63  }
0x9f: {  	_ = 	snop  }
0xa0: {  	[tilespmem:s17], [sflag:$0x1] =	stream.indirect_vreg.gather [hbm4b:s1+s3], $0x80, v3, vm0, $0xb8;
	[tilespmem:$0x12200] =	vst v63  }
0xa1: {  	_ = 	snop  }
0xa2: {  	[tilespmem:s18], [sflag:$0x1] =	stream.indirect_vreg.gather [hbm4b:s4+s3], $0x80, v3, vm0, $0xb8;
	[tilespmem:$0x12200] =	vst v63  }
0xa3: {  	_ = 	snop  }
0xa4: {  	[tilespmem:s19], [sflag:$0x1] =	stream.indirect_vreg.gather [hbm4b:s5+s3], $0x80, v3, vm0, $0xb8;
	[tilespmem:$0x12200] =	vst v63  }
0xa5: {  	_ = 	snop  }
0xa6: {  	[tilespmem:s20], [sflag:$0x1] =	stream.indirect_vreg.gather [hbm4b:s6+s3], $0x80, v3, vm0, $0xb8;
	[tilespmem:$0x12200] =	vst v63  }
0xa7: {  	_ = 	snop  }
0xa8: {  	[tilespmem:s21], [sflag:$0x1] =	stream.indirect_vreg.gather [hbm4b:s7+s3], $0x80, v3, vm1, $0xb8;
	[tilespmem:$0x12200] =	vst v63  }
0xa9: {  	v3 =	vld [tilespmem:$0x110];
	_ =	sdelay $0x4  }
0xaa: {  	v61 =	vshrl.u32 v3, $0x3  }
0xab: {  	v4 =	vmul.u32 $0x48, v61  }
0xac: {  	v3 =	vand.u32 $0x7, v3  }
0xad: {  	v3 =	vor.u32 v3, v4  }
0xae: {  	v4 =	vperm.xlane v3, v0;
	_ =	sdelay $0x1  }
0xaf: {  	v4 =	vadd.s32 v1, v4;
	_ =	sdelay $0x4  }
0xb0: {  	[tilespmem:s22], [sflag:$0x1] =	stream.indirect_vreg.gather [hbm4b:s1+s3], $0x80, v4, vm0, $0xb8;
	[tilespmem:$0x12200] =	vst v63  }
0xb1: {  	_ = 	snop  }
0xb2: {  	[tilespmem:s23], [sflag:$0x1] =	stream.indirect_vreg.gather [hbm4b:s4+s3], $0x80, v4, vm0, $0xb8;
	[tilespmem:$0x12200] =	vst v63  }
0xb3: {  	v3 =	vperm.xlane v3, v2  }
0xb4: {  	[tilespmem:s24], [sflag:$0x1] =	stream.indirect_vreg.gather [hbm4b:s5+s3], $0x80, v4, vm0, $0xb8;
	[tilespmem:$0x12200] =	vst v63  }
0xb5: {  	v3 =	vadd.s32 v1, v3  }
0xb6: {  	[tilespmem:s25], [sflag:$0x1] =	stream.indirect_vreg.gather [hbm4b:s6+s3], $0x80, v4, vm0, $0xb8;
	[tilespmem:$0x12200] =	vst v63  }
0xb7: {  	_ = 	snop  }
0xb8: {  	[tilespmem:s26], [sflag:$0x1] =	stream.indirect_vreg.gather [hbm4b:s7+s3], $0x80, v4, vm1, $0xb8;
	[tilespmem:$0x12200] =	vst v63  }
0xb9: {  	_ = 	snop  }
0xba: {  	[tilespmem:s28], [sflag:$0x1] =	stream.indirect_vreg.gather [hbm4b:s1+s3], $0x80, v3, vm0, $0xb8;
	[tilespmem:$0x12200] =	vst v63  }
0xbb: {  	_ = 	snop  }
0xbc: {  	[tilespmem:s29], [sflag:$0x1] =	stream.indirect_vreg.gather [hbm4b:s4+s3], $0x80, v3, vm0, $0xb8;
	[tilespmem:$0x12200] =	vst v63  }
0xbd: {  	_ = 	snop  }
0xbe: {  	[tilespmem:s9], [sflag:$0x1] =	stream.indirect_vreg.gather [hbm4b:s5+s3], $0x80, v3, vm0, $0xb8;
	[tilespmem:$0x12200] =	vst v63  }
0xbf: {  	s12 =	simm.s32 $0x8600  }
0xc0: {  	[tilespmem:s12], [sflag:$0x1] =	stream.indirect_vreg.gather [hbm4b:s6+s3], $0x80, v3, vm0, $0xb8;
	[tilespmem:$0x12200] =	vst v63  }
0xc1: {  	s9 =	simm.s32 $0x8E00  }
0xc2: {  	[tilespmem:s9], [sflag:$0x1] =	stream.indirect_vreg.gather [hbm4b:s7+s3], $0x80, v3, vm1, $0xb8;
	[tilespmem:$0x12200] =	vst v63  }
0xc3: {  	s12 =	rddreg [dreg:$0x6]  }
0xc4: {  	[hbm4b:s12+s3] =	stream.linear.scatter [tilespmem:s30], [sflag:$0x4], $0x9000, $0x38;
	[tilespmem:$0x12200] =	vst v63  }
0xc5: {  	_ =	swait.ge [sflag:s0], $0x9000  }
0xc6: {  	[sflag:s0] =	ssyncset.done $0x0  }
0xc7: {  	[sflag:s0] =	ssyncadd.s32 $0xFFFF7000  }
0xc8: {  	_ =	swait.ge [sflag:s11], $0x9000  }
0xc9: {  	[sflag:s11] =	ssyncset.done $0x0  }
0xca: {  	[sflag:s11] =	ssyncadd.s32 $0xFFFF7000  }
0xcb: {  	v3 =	vld [tilespmem:$0x180];
	_ =	sdelay $0x4  }
0xcc: {  	v62 =	vshrl.u32 v3, $0x3  }
0xcd: {  	v4 =	vmul.u32 $0x48, v62  }
0xce: {  	v3 =	vand.u32 $0x7, v3  }
0xcf: {  	v3 =	vor.u32 v3, v4  }
0xd0: {  	v4 =	vperm.xlane v3, v0;
	_ =	sdelay $0x1  }
0xd1: {  	v4 =	vadd.s32 v1, v4;
	_ =	sdelay $0x4  }
0xd2: {  	[tilespmem:s30], [sflag:$0x2] =	stream.indirect_vreg.gather [hbm4b:s1+s3], $0x80, v4, vm0, $0xb8;
	[tilespmem:$0x12200] =	vst v63  }
0xd3: {  	s9 =	simm.s32 $0x9A00  }
0xd4: {  	[tilespmem:s9], [sflag:$0x2] =	stream.indirect_vreg.gather [hbm4b:s4+s3], $0x80, v4, vm0, $0xb8;
	[tilespmem:$0x12200] =	vst v63  }
0xd5: {  	s12 =	simm.s32 $0xA200;
	v3 =	vperm.xlane v3, v2  }
0xd6: {  	[tilespmem:s12], [sflag:$0x2] =	stream.indirect_vreg.gather [hbm4b:s5+s3], $0x80, v4, vm0, $0xb8;
	[tilespmem:$0x12200] =	vst v63  }
0xd7: {  	v3 =	vadd.s32 v1, v3;
	s9 =	simm.s32 $0xAA00  }
0xd8: {  	[tilespmem:s9], [sflag:$0x2] =	stream.indirect_vreg.gather [hbm4b:s6+s3], $0x80, v4, vm0, $0xb8;
	[tilespmem:$0x12200] =	vst v63  }
0xd9: {  	s12 =	simm.s32 $0xB200  }
0xda: {  	[tilespmem:s12], [sflag:$0x2] =	stream.indirect_vreg.gather [hbm4b:s7+s3], $0x80, v4, vm1, $0xb8;
	[tilespmem:$0x12200] =	vst v63  }
0xdb: {  	s9 =	simm.s32 $0xB600  }
0xdc: {  	[tilespmem:s9], [sflag:$0x2] =	stream.indirect_vreg.gather [hbm4b:s1+s3], $0x80, v3, vm0, $0xb8;
	[tilespmem:$0x12200] =	vst v63  }
0xdd: {  	s12 =	simm.s32 $0xBE00  }
0xde: {  	[tilespmem:s12], [sflag:$0x2] =	stream.indirect_vreg.gather [hbm4b:s4+s3], $0x80, v3, vm0, $0xb8;
	[tilespmem:$0x12200] =	vst v63  }
0xdf: {  	s9 =	simm.s32 $0xC600  }
0xe0: {  	[tilespmem:s9], [sflag:$0x2] =	stream.indirect_vreg.gather [hbm4b:s5+s3], $0x80, v3, vm0, $0xb8;
	[tilespmem:$0x12200] =	vst v63  }
0xe1: {  	s12 =	simm.s32 $0xCE00  }
0xe2: {  	[tilespmem:s12], [sflag:$0x2] =	stream.indirect_vreg.gather [hbm4b:s6+s3], $0x80, v3, vm0, $0xb8;
	[tilespmem:$0x12200] =	vst v63  }
0xe3: {  	s9 =	simm.s32 $0xD600  }
0xe4: {  	[tilespmem:s9], [sflag:$0x2] =	stream.indirect_vreg.gather [hbm4b:s7+s3], $0x80, v3, vm1, $0xb8;
	[tilespmem:$0x12200] =	vst v63  }
0xe5: {  	v3 =	vld [tilespmem:$0x190];
	_ =	sdelay $0x4  }
0xe6: {  	v63 =	vshrl.u32 v3, $0x3  }
0xe7: {  	v4 =	vmul.u32 $0x48, v63  }
0xe8: {  	v3 =	vand.u32 $0x7, v3  }
0xe9: {  	v3 =	vor.u32 v3, v4  }
0xea: {  	v4 =	vperm.xlane v3, v0;
	_ =	sdelay $0x1  }
0xeb: {  	v4 =	vadd.s32 v1, v4;
	_ =	sdelay $0x3  }
0xec: {  	s12 =	simm.s32 $0xDA00  }
0xed: {  	[tilespmem:s12], [sflag:$0x2] =	stream.indirect_vreg.gather [hbm4b:s1+s3], $0x80, v4, vm0, $0xb8;
	[tilespmem:$0x12200] =	vst v63  }
0xee: {  	s9 =	simm.s32 $0xE200  }
0xef: {  	[tilespmem:s9], [sflag:$0x2] =	stream.indirect_vreg.gather [hbm4b:s4+s3], $0x80, v4, vm0, $0xb8;
	[tilespmem:$0x12200] =	vst v63  }
0xf0: {  	v3 =	vperm.xlane v3, v2;
	s12 =	simm.s32 $0xEA00  }
0xf1: {  	[tilespmem:s12], [sflag:$0x2] =	stream.indirect_vreg.gather [hbm4b:s5+s3], $0x80, v4, vm0, $0xb8;
	[tilespmem:$0x12200] =	vst v63  }
0xf2: {  	v3 =	vadd.s32 v1, v3;
	s9 =	simm.s32 $0xF200  }
0xf3: {  	[tilespmem:s9], [sflag:$0x2] =	stream.indirect_vreg.gather [hbm4b:s6+s3], $0x80, v4, vm0, $0xb8;
	[tilespmem:$0x12200] =	vst v63  }
0xf4: {  	s12 =	simm.s32 $0xFA00  }
0xf5: {  	[tilespmem:s12], [sflag:$0x2] =	stream.indirect_vreg.gather [hbm4b:s7+s3], $0x80, v4, vm1, $0xb8;
	[tilespmem:$0x12200] =	vst v63  }
0xf6: {  	s9 =	simm.s32 $0xFE00  }
0xf7: {  	[tilespmem:s9], [sflag:$0x2] =	stream.indirect_vreg.gather [hbm4b:s1+s3], $0x80, v3, vm0, $0xb8;
	[tilespmem:$0x12200] =	vst v63  }
0xf8: {  	s12 =	simm.s32 $0x10600  }
0xf9: {  	[tilespmem:s12], [sflag:$0x2] =	stream.indirect_vreg.gather [hbm4b:s4+s3], $0x80, v3, vm0, $0xb8;
	[tilespmem:$0x12200] =	vst v63  }
0xfa: {  	s9 =	simm.s32 $0x10E00  }
0xfb: {  	[tilespmem:s9], [sflag:$0x2] =	stream.indirect_vreg.gather [hbm4b:s5+s3], $0x80, v3, vm0, $0xb8;
	[tilespmem:$0x12200] =	vst v63  }
0xfc: {  	s12 =	simm.s32 $0x11600  }
0xfd: {  	[tilespmem:s12], [sflag:$0x2] =	stream.indirect_vreg.gather [hbm4b:s6+s3], $0x80, v3, vm0, $0xb8;
	[tilespmem:$0x12200] =	vst v63  }
0xfe: {  	s9 =	simm.s32 $0x11E00  }
0xff: {  	[tilespmem:s9], [sflag:$0x2] =	stream.indirect_vreg.gather [hbm4b:s7+s3], $0x80, v3, vm1, $0xb8;
	[tilespmem:$0x12200] =	vst v63  }
0x100: {  	s31 =	simm.s32 $0x200;
	s12 =	rddreg [dreg:$0x7]  }
0x101: {  	[hbm4b:s12+s3] =	stream.linear.scatter [tilespmem:s31], [sflag:$0x3], $0x9000, $0x38;
	[tilespmem:$0x12200] =	vst v63  }
0x102: {  	_ =	swait.ge [sflag:s10], $0x9000  }
0x103: {  	[sflag:s10] =	ssyncset.done $0x0  }
0x104: {  	s31 =	rddreg [dreg:$0x8];
	[sflag:s10] =	ssyncadd.s32 $0xFFFF7000  }
0x105: {  	[hbm4b:s31+s3] =	stream.linear.scatter [tilespmem:s30], [sflag:$0x4], $0x9000, $0x38;
	[tilespmem:$0x12200] =	vst v63  }
0x106: {  	p0 =	sne.s32 s8, $0x1;
	_ =	swait.ge [sflag:s2], $0x9000  }
.Ltmp0:
0x107: {  	[sflag:s2] =	ssyncset.done $0x0;
	(pc) =	sbr.rel @p0 .LBB2_1-.Ltmp0, $4  }
0x108: {  	[sflag:s2] =	ssyncadd.s32 $0xFFFF7000  }
0x109: {  	_ =	swait.ge [sflag:s11], $0x9000  }
0x10a: {  	[sflag:s11] =	ssyncset.done $0x0  }
0x10b: {  	s8 =	sadd.s32 $0xFFFFFFFF, s8;
	[sflag:s11] =	ssyncadd.s32 $0xFFFF7000  }
0x10c: {  	_ =	sfence.sel $0x180000  }
0x10d: {  	[bflag:$0x0] =	sbarrier.arrive $0xFFFF  }
0x10e: {  	_ =	strace $0x90000047  }
0x10f: {  	s0 =	stileid.u32;
	[bflag:$0x2] =	sbarrier.arrive $0xFFFF  }
0x110: {  	p0 =	sne.s32 s0, $0x0;
	s0 =	rddreg [dreg:$0x3]  }
0x111: {  	s0 =	sadd.s32 @!p0 $0x100000, s0  }
0x112: {  	[sflag:s0] =	ssyncadd.tile.s32 @!p0 $0x1;
	_ =	shalt  }
.Lfunc_end2:
_tile_overlayer_lowered:
.L_overlay_start_2:
0x113: {  	(tag) =	ssettag $0x2  }
0x114: {  	s0 =	rddreg [dreg:$0x0];
	s2 =	stileid.u32  }
0x115: {  	s1 =	rddreg [dreg:$0x1];
	p0 =	sne.s32 s2, $0x0  }
0x116: {  	s3 =	rddreg [dreg:$0x2];
	[bflag:$0x3] =	sbarrier.arrive $0xFFFF;
	s2 =	simm.s32 @!p0 $0x1C05  }
0x117: {  	[timem:s3], [sflag:s2] =	dma.local @!p0 [hbm:s0], s1  }
0x118: {  	s0 =	simm.s32 @!p0 $0x5  }
0x119: {  	_ =	swait.ge @!p0 [sflag:s0], s1  }
0x11a: {  	s1 =	ssub.s32 @!p0 $0x0, s1;
	[sflag:s0] =	ssyncset.done @!p0 $0x0  }
0x11b: {  	[sflag:s0] =	ssyncadd.s32 @!p0 s1  }
0x11c: {  	[bflag:$0x3] =	sbarrier.arrive $0xFFFF  }
0x11d: {  	_ =	shalt  }

</sc_bundles>
